<compile_context>
chip_gen: v7x
topology: tpu7x:2x2x1
jax: 0.10.2.dev20260603
libtpu: 0.0.44.dev20260713+nightly
codegen_flags: <defaults>
</compile_context>

<pallas_src>
import dataclasses
import functools

import jax
import jax.numpy as jnp
from jax import lax
from jax.experimental import pallas as pl
from jax.experimental.pallas import tpu as pltpu
from jax.experimental.pallas import tpu_sc as plsc

N = 100000
R = 4
LOG2C = 13
C = 1 << LOG2C
NBLK = 14
BLK_PER_SC = 7
NSUB = 16
NW = 2 * NSUB
LOG2G = 9
G = 1 << LOG2G
ROWS_PER_SUB = C // NSUB
E_TOT = 1600000
CAP = E_TOT + NBLK * NW * G
HTILE = 10000


def _sc_compiler_params():
    cp = pltpu.CompilerParams()
    fields = pltpu.CompilerParams.__dataclass_fields__
    if "needs_layout_passes" in fields:
        cp = dataclasses.replace(cp, needs_layout_passes=False)
    if "use_tc_tiling_on_sc" in fields:
        cp = dataclasses.replace(cp, use_tc_tiling_on_sc=False)
    return cp


def _masked_scalar(vec, k):
    io = lax.iota(jnp.int32, 16)
    return jnp.sum(jnp.where(io == k, vec, 0))


def _lane_select(k, add_vec):
    io = lax.iota(jnp.int32, 16)
    return jnp.where(io == k, add_vec, 0)


@jax.jit
def _sc_hist(dst):
    E = dst.shape[0]
    eps = E // NW
    ntiles = eps // HTILE
    mesh = plsc.VectorSubcoreMesh(core_axis_name="c", subcore_axis_name="s")

    @functools.partial(
        pl.kernel,
        out_type=jax.ShapeDtypeStruct((NW * 16,), jnp.int32),
        mesh=mesh,
        compiler_params=_sc_compiler_params(),
        scratch_types=[
            pltpu.VMEM((HTILE,), jnp.int32),
            pltpu.VMEM((16,), jnp.int32),
        ],
    )
    def k(dst_hbm, hist_hbm, dv, hv):
        core = lax.axis_index("c")
        sub = lax.axis_index("s")
        wid = core * NSUB + sub
        base = wid * eps
        io = lax.iota(jnp.int32, 16)

        def tile(i, acc):
            off = pl.multiple_of(base + i * HTILE, 8)
            pltpu.sync_copy(dst_hbm.at[pl.ds(off, HTILE)], dv)

            def vreg(j, acc2):
                d = dv[pl.ds(pl.multiple_of(j * 16, 16), 16)]
                b = lax.shift_right_logical(d, LOG2C)
                for kk in range(NBLK):
                    pc = plsc.all_reduce_population_count(b == kk)
                    acc2 = acc2 + jnp.where(io == kk, pc, 0)
                return acc2

            return lax.fori_loop(0, HTILE // 16, vreg, acc)

        acc = lax.fori_loop(0, ntiles, tile, jnp.zeros((16,), jnp.int32))
        hv[...] = acc
        pltpu.sync_copy(
            hv, hist_hbm.at[pl.ds(pl.multiple_of(wid * 16, 16), 16)])

    return k(dst)


@jax.jit
def _sc_bucketize(src, dst, et, hist):
    E = src.shape[0]
    eps = E // NW
    ntiles = eps // HTILE
    cap = E + NBLK * NW * G
    mesh = plsc.VectorSubcoreMesh(core_axis_name="c", subcore_axis_name="s")

    @functools.partial(
        pl.kernel,
        out_type=(
            jax.ShapeDtypeStruct((cap,), jnp.int32),
            jax.ShapeDtypeStruct((cap,), jnp.int32),
            jax.ShapeDtypeStruct((32,), jnp.int32),
        ),
        mesh=mesh,
        compiler_params=_sc_compiler_params(),
        scratch_types=[
            pltpu.VMEM((HTILE,), jnp.int32),
            pltpu.VMEM((HTILE,), jnp.int32),
            pltpu.VMEM((HTILE,), jnp.int32),
            pltpu.VMEM((NW * 16,), jnp.int32),
            pltpu.VMEM((NBLK, 2 * G), jnp.int32),
            pltpu.VMEM((NBLK, 2 * G), jnp.int32),
            pltpu.VMEM((16,), jnp.int32),
            pltpu.VMEM((16,), jnp.int32),
        ],
    )
    def k(src_hbm, dst_hbm, et_hbm, hist_hbm,
          gidx_hbm, ldst_hbm, pq_hbm,
          sv, dv, ev, hvm, stg, stl, rowa, rowb):
        core = lax.axis_index("c")
        sub = lax.axis_index("s")
        wid = core * NSUB + sub
        io = lax.iota(jnp.int32, 16)
        pltpu.sync_copy(hist_hbm, hvm)

        def ph_row(w):
            h = hvm[pl.ds(w * 16, 16)]
            return lax.shift_left(
                lax.shift_right_logical(h + (G - 1), LOG2G), LOG2G)

        tot = jnp.zeros((16,), jnp.int32)
        for w in range(NW):
            tot = tot + ph_row(w)
        pstart = jnp.cumsum(tot) - tot
        myoff = pstart
        for w in range(NW):
            myoff = myoff + ph_row(w) * (w < wid).astype(jnp.int32)
        @pl.when(wid == 0)
        def _():
            rowa[...] = pstart
            rowb[...] = lax.shift_right_logical(tot, LOG2G)
            pltpu.sync_copy(rowa, pq_hbm.at[pl.ds(0, 16)])
            pltpu.sync_copy(rowb, pq_hbm.at[pl.ds(16, 16)])

        base = wid * eps

        def tile(i, carry):
            wptrv, flshv = carry
            off = pl.multiple_of(base + i * HTILE, 8)
            pltpu.sync_copy(src_hbm.at[pl.ds(off, HTILE)], sv)
            pltpu.sync_copy(dst_hbm.at[pl.ds(off, HTILE)], dv)
            pltpu.sync_copy(et_hbm.at[pl.ds(off, HTILE)], ev)

            def vreg(j, carry2):
                wptrv2, flshv2 = carry2
                slc = pl.ds(pl.multiple_of(j * 16, 16), 16)
                d = dv[slc]
                s = sv[slc]
                e = ev[slc]
                b = lax.shift_right_logical(d, LOG2C)
                gv = e * N + s
                lv = d & (C - 1)
                for kk in range(NBLK):
                    m = b == kk
                    pc = plsc.all_reduce_population_count(m)
                    ranks = plsc.cumsum(m.astype(jnp.int32)) - 1
                    wk = _masked_scalar(wptrv2, kk)
                    pos = wk + ranks
                    plsc.store_scatter(stg.at[kk], [pos], gv, mask=m)
                    plsc.store_scatter(stl.at[kk], [pos], lv, mask=m)
                    pcs = _masked_scalar(pc, 0)
                    new_wk = wk + pcs
                    wptrv2 = wptrv2 + _lane_select(kk, pc)

                    def flush(ops):
                        wv, fv = ops
                        fk = _masked_scalar(fv, kk)
                        sk = _masked_scalar(myoff, kk)
                        dsto = pl.multiple_of(sk + fk, G)
                        pltpu.sync_copy(stg.at[kk, pl.ds(0, G)],
                                        gidx_hbm.at[pl.ds(dsto, G)])
                        pltpu.sync_copy(stl.at[kk, pl.ds(0, G)],
                                        ldst_hbm.at[pl.ds(dsto, G)])
                        tg = stg[kk, pl.ds(G, 16)]
                        tl = stl[kk, pl.ds(G, 16)]
                        stg[kk, pl.ds(0, 16)] = tg
                        stl[kk, pl.ds(0, 16)] = tl
                        return (wv - _lane_select(kk, jnp.full((16,), G, jnp.int32)),
                                fv + _lane_select(kk, jnp.full((16,), G, jnp.int32)))

                    wptrv2, flshv2 = lax.cond(
                        new_wk >= G, flush, lambda ops: ops, (wptrv2, flshv2))
                return (wptrv2, flshv2)

            return lax.fori_loop(0, HTILE // 16, vreg, (wptrv, flshv))

        zero16 = jnp.zeros((16,), jnp.int32)
        wptrv, flshv = lax.fori_loop(0, ntiles, tile, (zero16, zero16))

        for kk in range(NBLK):
            wk = _masked_scalar(wptrv, kk)
            for j in range(G // 16):
                slc = pl.ds(j * 16, 16)
                mpad = (io + j * 16) >= wk
                stg[kk, slc] = jnp.where(mpad, 0, stg[kk, slc])
                stl[kk, slc] = jnp.where(mpad, C, stl[kk, slc])

            @pl.when(wk > 0)
            def _():
                fk = _masked_scalar(flshv, kk)
                sk = _masked_scalar(myoff, kk)
                dsto = pl.multiple_of(sk + fk, G)
                pltpu.sync_copy(stg.at[kk, pl.ds(0, G)],
                                gidx_hbm.at[pl.ds(dsto, G)])
                pltpu.sync_copy(stl.at[kk, pl.ds(0, G)],
                                ldst_hbm.at[pl.ds(dsto, G)])

    return k(src, dst, et, hist)


HW = 64


@functools.partial(jax.jit, static_argnames=("dout",))
def _sc_aggregate(xr_half, gidx, ldst, pq, zeros_hbm, dout):
    nh = dout // HW
    mesh = plsc.VectorSubcoreMesh(core_axis_name="c", subcore_axis_name="s")

    @functools.partial(
        pl.kernel,
        out_type=tuple(
            jax.ShapeDtypeStruct((NBLK * C, HW), jnp.float32)
            for _ in range(nh)),
        mesh=mesh,
        compiler_params=_sc_compiler_params(),
        scratch_types=[
            pltpu.VMEM((G,), jnp.int32),
            pltpu.VMEM((G,), jnp.int32),
            pltpu.VMEM((G,), jnp.int32),
            pltpu.VMEM((G,), jnp.int32),
            pltpu.VMEM((G,), jnp.int32),
            pltpu.VMEM((G,), jnp.int32),
            pltpu.VMEM((G, HW), jnp.float32),
            pltpu.VMEM((G, HW), jnp.float32),
            pltpu.VMEM((16,), jnp.int32),
            pltpu.VMEM((16,), jnp.int32),
            pltpu.VMEM_SHARED((C + 8, HW), jnp.float32),
            pltpu.SemaphoreType.DMA,
            pltpu.SemaphoreType.DMA,
            pltpu.SemaphoreType.DMA,
            pltpu.SemaphoreType.DMA,
            pltpu.SemaphoreType.DMA,
            pltpu.SemaphoreType.DMA,
        ],
    )
    def k(xr_hbm, gidx_hbm, ldst_hbm, pq_hbm, z_hbm, *rest):
        aggs = rest[:nh]
        (ix0, ix1, gx0, gx1, ld0, ld1, rw0, rw1, pv, qv, acc,
         sAg0, sAg1, sAl0, sAl1, sB0, sB1) = rest[nh:]
        core = lax.axis_index("c")
        sub = lax.axis_index("s")
        ix = (ix0, ix1)
        gx = (gx0, gx1) if nh > 1 else (ix0, ix1)
        ld = (ld0, ld1)
        rw = (rw0, rw1)
        sAg = (sAg0, sAg1)
        sAl = (sAl0, sAl1)
        sB = (sB0, sB1)
        pltpu.sync_copy(pq_hbm.at[pl.ds(0, 16)], pv)
        pltpu.sync_copy(pq_hbm.at[pl.ds(16, 16)], qv)
        zslc = pl.ds(sub * ROWS_PER_SUB, ROWS_PER_SUB)
        pltpu.sync_copy(z_hbm.at[zslc], acc.at[zslc])
        plsc.subcore_barrier()

        def block(kb, carry):
            blkid = core * BLK_PER_SC + kb
            pk = _masked_scalar(pv[...], blkid)
            qk = _masked_scalar(qv[...], blkid)
            T = lax.shift_right_logical(qk + 15 - sub, 4)

            for h in range(nh):
                def chunk_off(t):
                    return pl.multiple_of(pk + (sub + 16 * t) * G, G)

                def idx_start(t, b):
                    o = chunk_off(t)
                    pltpu.make_async_copy(
                        gidx_hbm.at[pl.ds(o, G)], ix[b], sAg[b]).start()
                    pltpu.make_async_copy(
                        ldst_hbm.at[pl.ds(o, G)], ld[b], sAl[b]).start()

                def idx_wait(b):
                    pltpu.make_async_copy(
                        gidx_hbm.at[pl.ds(0, G)], ix[b], sAg[b]).wait()
                    pltpu.make_async_copy(
                        ldst_hbm.at[pl.ds(0, G)], ld[b], sAl[b]).wait()
                    if nh > 1:
                        for jv in range(G // 16):
                            s = pl.ds(jv * 16, 16)
                            gx[b][s] = ix[b][s] * nh + h

                def gather_start(b):
                    pltpu.make_async_copy(
                        xr_hbm.at[gx[b]], rw[b], sB[b]).start()

                def gather_wait(b):
                    pltpu.make_async_copy(
                        xr_hbm.at[gx[b]], rw[b], sB[b]).wait()

                def scat(b):
                    pltpu.sync_copy(rw[b], acc.at[ld[b]], add=True)

                @pl.when(T > 0)
                def _():
                    idx_start(0, 0)

                @pl.when(T > 1)
                def _():
                    idx_start(1, 1)

                @pl.when(T > 0)
                def _():
                    idx_wait(0)
                    gather_start(0)

                def body(jj, c2):
                    t1 = 2 * jj + 1
                    t2 = 2 * jj + 2
                    t3 = 2 * jj + 3
                    gather_wait(0)

                    @pl.when(t1 < T)
                    def _():
                        idx_wait(1)
                        gather_start(1)

                    scat(0)

                    @pl.when(t2 < T)
                    def _():
                        idx_start(t2, 0)

                    @pl.when(t1 < T)
                    def _():
                        gather_wait(1)

                        @pl.when(t2 < T)
                        def _():
                            idx_wait(0)
                            gather_start(0)

                        scat(1)

                        @pl.when(t3 < T)
                        def _():
                            idx_start(t3, 1)

                    return c2

                lax.fori_loop(0, lax.shift_right_logical(T + 1, 1), body, 0)
                plsc.subcore_barrier()
                orow = pl.multiple_of(
                    blkid * C + sub * ROWS_PER_SUB, ROWS_PER_SUB)
                out_slc = pl.ds(orow, ROWS_PER_SUB)
                pltpu.sync_copy(acc.at[zslc], aggs[h].at[out_slc])
                pltpu.sync_copy(z_hbm.at[zslc], acc.at[zslc])
                plsc.subcore_barrier()
            return carry

        lax.fori_loop(0, BLK_PER_SC, block, 0)

    return k(xr_half, gidx, ldst, pq, zeros_hbm)


def _matmul_all(h, Wall):
    n, din = h.shape
    nr, _, dout = Wall.shape
    bn = 1000
    nblocks = n // bn

    def body(h_ref, w_ref, o_ref):
        o_ref[...] = lax.dot_general(
            h_ref[...], w_ref[0],
            dimension_numbers=(((1,), (0,)), ((), ())),
            preferred_element_type=jnp.float32,
            precision=lax.Precision.HIGHEST,
        )

    return pl.pallas_call(
        body,
        grid=(nr, nblocks),
        in_specs=[
            pl.BlockSpec((bn, din), lambda r, i: (i, 0)),
            pl.BlockSpec((1, din, dout), lambda r, i: (r, 0, 0)),
        ],
        out_specs=pl.BlockSpec((bn, dout), lambda r, i: (r * nblocks + i, 0)),
        out_shape=jax.ShapeDtypeStruct((nr * n, dout), jnp.float32),
    )(h, Wall)


def _finalize(aggs, selfm, b):
    n, dout = selfm.shape
    nh = len(aggs)
    hw = dout // nh
    bn = 1000
    nblocks = n // bn

    def body(*refs):
        a_refs = refs[:nh]
        s_ref, b_ref, o_ref = refs[nh:]
        a = jnp.concatenate([r[...] for r in a_refs], axis=1)
        o_ref[...] = jnp.maximum(a + s_ref[...] + b_ref[...], 0.0)

    return pl.pallas_call(
        body,
        grid=(nblocks,),
        in_specs=[pl.BlockSpec((bn, hw), lambda i: (i, 0))
                  for _ in range(nh)] + [
            pl.BlockSpec((bn, dout), lambda i: (i, 0)),
            pl.BlockSpec((1, dout), lambda i: (0, 0)),
        ],
        out_specs=pl.BlockSpec((bn, dout), lambda i: (i, 0)),
        out_shape=jax.ShapeDtypeStruct((n, dout), jnp.float32),
    )(*aggs, selfm, b.reshape(1, dout))


def kernel(x, edge_index, etypes, W1, Ws1, b1, W2, Ws2, b2, W3, Ws3, b3):
    src = edge_index[0].astype(jnp.int32)
    dst = edge_index[1].astype(jnp.int32)
    et = etypes.astype(jnp.int32)
    hist = _sc_hist(dst)
    gidx, ldst, pq = _sc_bucketize(src, dst, et, hist)
    h = x
    for (W, Ws, b) in ((W1, Ws1, b1), (W2, Ws2, b2), (W3, Ws3, b3)):
        dout = W.shape[2]
        Wall = jnp.concatenate([W, Ws[None]], axis=0)
        xr = _matmul_all(h, Wall)
        xr_half = xr.reshape((R + 1) * N * (dout // HW), HW)
        zeros_hbm = jnp.zeros((C, HW), jnp.float32)
        aggs = _sc_aggregate(xr_half, gidx, ldst, pq, zeros_hbm, dout)
        aggs = [a[:N] for a in aggs]
        h = _finalize(aggs, xr[R * N:(R + 1) * N], b)
    return h

# --- scband reference (transcript-rebuilt; emitter-appended) ---
"""Pipeline reference for scband-dgl-rgcn-rl-69441031242033 (READ-ONLY COPY).

The authoritative reference and input builder live on the scoring server;
editing this copy changes nothing except your own understanding.
"""

import jax, jax.numpy as jnp
import numpy as np

N = 100000
E = 1600000
R = 4
DIMS = [33, 64, 128, 64]


def _glorot(key, shape):
    fan_in, fan_out = shape[-2], shape[-1]
    std = np.sqrt(2.0 / (fan_in + fan_out))
    return jax.random.normal(key, shape, dtype=jnp.float32) * std


def setup_inputs(seed: int = 0) -> dict:
    key = jax.random.key(seed)
    ks = jax.random.split(key, 16)
    inp = {}
    inp['x'] = jax.random.normal(ks[0], (N, DIMS[0]), dtype=jnp.float32)
    inp['edge_index'] = jax.random.randint(ks[1], (2, E), 0, N)
    inp['etypes'] = jax.random.randint(ks[2], (E,), 0, R)
    for l in range(3):
        din, dout = DIMS[l], DIMS[l + 1]
        inp['W%d' % (l + 1)] = _glorot(ks[3 + 3 * l], (R, din, dout))
        inp['Ws%d' % (l + 1)] = _glorot(ks[4 + 3 * l], (din, dout))
        inp['b%d' % (l + 1)] = jnp.zeros((dout,), dtype=jnp.float32)
    return inp


def _rgcn_layer(h, W, Ws, b, edge_index, etypes):
    # Relation-specific transform (num_bases == num_rels -> per-relation weights),
    # message = W_{rel(e)} @ h[src(e)], sum-aggregated at dst, plus self-loop, ReLU.
    src = edge_index[0]
    dst = edge_index[1]
    xr = jnp.einsum('nf,rfo->rno', h, W)          # [R, N, dout]
    msgs = xr[etypes, src]                        # gather per-edge: [E, dout]
    agg = jax.ops.segment_sum(msgs, dst, num_segments=h.shape[0])  # scatter-add
    return jax.nn.relu(agg + h @ Ws + b)


def reference(x, edge_index, etypes, W1, Ws1, b1, W2, Ws2, b2, W3, Ws3, b3):
    h = _rgcn_layer(x, W1, Ws1, b1, edge_index, etypes)
    h = _rgcn_layer(h, W2, Ws2, b2, edge_index, etypes)
    h = _rgcn_layer(h, W3, Ws3, b3, edge_index, etypes)
    return h

if __name__ == "__main__":
    import jax
    _d = setup_inputs()
    print(jax.jit(kernel)(*tuple(_d.values())))

</pallas_src>

<mosaic_0001>
#map = affine_map<(d0, d1) -> (0)>
module attributes {stable_mosaic.version = 14 : i64} {
  func.func @k(%arg0: i32, %arg1: i32, %arg2: memref<1600000xi32, #tpu.memory_space<hbm>>, %arg3: memref<512xi32, #tpu.memory_space<hbm>>, %arg4: memref<10000xi32, #tpu.memory_space<vmem>>, %arg5: memref<16xi32, #tpu.memory_space<vmem>>) attributes {dimension_semantics = [#tpu.dimension_semantics<core_parallel>, #tpu.dimension_semantics<subcore_parallel>], iteration_bounds = array<i64: 2, 16>, scalar_prefetch = 0 : i64, scratch_operands = 2 : i64, tpu.core_type = #tpu.core_type<sc_vector_subcore>, window_params = [{transform_indices = #map}, {transform_indices = #map}]} {
    %mul3A = arith.constant 16 : i32
    %mul3A_0 = arith.muli %arg0, %mul3A : i32
    %add3A = arith.addi %mul3A_0, %arg1 : i32
    %mul3A_1 = arith.constant 50000 : i32
    %mul3A_2 = arith.muli %add3A, %mul3A_1 : i32
    %iota3A = tpu.iota {dimensions = array<i32: 0>} : vector<16xi32>
    %broadcast_in_dim3A = arith.constant 0 : i32
    %broadcast_in_dim3A_3 = vector.broadcast %broadcast_in_dim3A : i32 to vector<16xi32>
    %scan3A = arith.constant 0 : i32
    %scan3A_4 = arith.constant 5 : i32
    %scan3A_5 = arith.addi %scan3A, %scan3A_4 : i32
    %scan3A_6 = arith.constant 1 : i32
    %scan3A_7 = scf.for %scan3A_12 = %scan3A to %scan3A_5 step %scan3A_6 iter_args(%scan3A_13 = %broadcast_in_dim3A_3) -> (vector<16xi32>)  : i32 {
      %mul3A_14 = arith.constant 10000 : i32
      %mul3A_15 = arith.muli %scan3A_12, %mul3A_14 : i32
      %add3A_16 = arith.addi %mul3A_2, %mul3A_15 : i32
      %multiple_of3A_17 = tpu.assume_multiple %add3A_16, 8 : i32
      "tpu.region"() ({
        %run_scoped3A = tpu.sem_alloc : memref<!tpu.dma_semaphore, #tpu.memory_space<semaphore_mem>>
        %dma_start3A = tpu.memref_slice %arg2[%multiple_of3A_17] : memref<1600000xi32, #tpu.memory_space<hbm>> -> memref<10000xi32, #tpu.memory_space<hbm>>
        %dma_start3A_24 = tpu.memref_slice %arg2[%multiple_of3A_17] : memref<1600000xi32, #tpu.memory_space<hbm>> -> memref<10000xi32, #tpu.memory_space<hbm>>
        tpu.enqueue_dma source(%dma_start3A_24 : memref<10000xi32, #tpu.memory_space<hbm>>) target(%arg4 : memref<10000xi32, #tpu.memory_space<vmem>>) target_semaphore(%run_scoped3A : memref<!tpu.dma_semaphore, #tpu.memory_space<semaphore_mem>>)
        %dma_wait3A = tpu.memref_slice %arg2[%multiple_of3A_17] : memref<1600000xi32, #tpu.memory_space<hbm>> -> memref<10000xi32, #tpu.memory_space<hbm>>
        %dma_wait3A_25 = tpu.memref_slice %arg2[%multiple_of3A_17] : memref<1600000xi32, #tpu.memory_space<hbm>> -> memref<10000xi32, #tpu.memory_space<hbm>>
        tpu.wait_dma2 semaphore(%run_scoped3A : memref<!tpu.dma_semaphore, #tpu.memory_space<semaphore_mem>>) src(%dma_wait3A_25 : memref<10000xi32, #tpu.memory_space<hbm>>) dst(%arg4 : memref<10000xi32, #tpu.memory_space<vmem>>)
        tpu.yield
      }) : () -> ()
      %scan3A_18 = arith.constant 0 : i32
      %scan3A_19 = arith.constant 625 : i32
      %scan3A_20 = arith.addi %scan3A_18, %scan3A_19 : i32
      %scan3A_21 = arith.constant 1 : i32
      %scan3A_22 = scf.for %scan3A_24 = %scan3A_18 to %scan3A_20 step %scan3A_21 iter_args(%scan3A_25 = %scan3A_13) -> (vector<16xi32>)  : i32 {
        %mul3A_26 = arith.constant 16 : i32
        %mul3A_27 = arith.muli %scan3A_24, %mul3A_26 : i32
        %multiple_of3A_28 = tpu.assume_multiple %mul3A_27, 16 : i32
        %get3A = arith.index_cast %multiple_of3A_28 : i32 to index
        %get3A_29 = tpu.vector_load %arg4[%get3A] {strides = array<i32>} : memref<10000xi32, #tpu.memory_space<vmem>>, vector<16xi32>,
        %shift_right_logical3A = arith.constant 13 : i32
        %shift_right_logical3A_30 = vector.broadcast %shift_right_logical3A : i32 to vector<16xi32>
        %shift_right_logical3A_31 = arith.shrui %get3A_29, %shift_right_logical3A_30 : vector<16xi32>
        %eq3A = arith.constant 0 : i32
        %eq3A_32 = vector.broadcast %eq3A : i32 to vector<16xi32>
        %eq3A_33 = arith.cmpi eq, %shift_right_logical3A_31, %eq3A_32 : vector<16xi32>
        %all_reduce_population_count3A = tpu.all_reduce %eq3A_33 {dim = 0 : i64, kind = #tpu.reduction_kind<sum>} : vector<16xi1> -> vector<16xi32>
        %eq3A_34 = arith.constant 0 : i32
        %eq3A_35 = vector.broadcast %eq3A_34 : i32 to vector<16xi32>
        %eq3A_36 = arith.cmpi eq, %iota3A, %eq3A_35 : vector<16xi32>
        %jit3A = arith.constant 0 : i32
        %broadcast_in_dim3A_37 = vector.broadcast %jit3A : i32 to vector<16xi32>
        %select_n3A = arith.select %eq3A_36, %all_reduce_population_count3A, %broadcast_in_dim3A_37 : vector<16xi1>, vector<16xi32>
        %add3A_38 = arith.addi %scan3A_25, %select_n3A : vector<16xi32>
        %eq3A_39 = arith.constant 1 : i32
        %eq3A_40 = vector.broadcast %eq3A_39 : i32 to vector<16xi32>
        %eq3A_41 = arith.cmpi eq, %shift_right_logical3A_31, %eq3A_40 : vector<16xi32>
        %all_reduce_population_count3A_42 = tpu.all_reduce %eq3A_41 {dim = 0 : i64, kind = #tpu.reduction_kind<sum>} : vector<16xi1> -> vector<16xi32>
        %eq3A_43 = arith.constant 1 : i32
        %eq3A_44 = vector.broadcast %eq3A_43 : i32 to vector<16xi32>
        %eq3A_45 = arith.cmpi eq, %iota3A, %eq3A_44 : vector<16xi32>
        %jit3A_46 = arith.constant 0 : i32
        %broadcast_in_dim3A_47 = vector.broadcast %jit3A_46 : i32 to vector<16xi32>
        %select_n3A_48 = arith.select %eq3A_45, %all_reduce_population_count3A_42, %broadcast_in_dim3A_47 : vector<16xi1>, vector<16xi32>
        %add3A_49 = arith.addi %add3A_38, %select_n3A_48 : vector<16xi32>
        %eq3A_50 = arith.constant 2 : i32
        %eq3A_51 = vector.broadcast %eq3A_50 : i32 to vector<16xi32>
        %eq3A_52 = arith.cmpi eq, %shift_right_logical3A_31, %eq3A_51 : vector<16xi32>
        %all_reduce_population_count3A_53 = tpu.all_reduce %eq3A_52 {dim = 0 : i64, kind = #tpu.reduction_kind<sum>} : vector<16xi1> -> vector<16xi32>
        %eq3A_54 = arith.constant 2 : i32
        %eq3A_55 = vector.broadcast %eq3A_54 : i32 to vector<16xi32>
        %eq3A_56 = arith.cmpi eq, %iota3A, %eq3A_55 : vector<16xi32>
        %jit3A_57 = arith.constant 0 : i32
        %broadcast_in_dim3A_58 = vector.broadcast %jit3A_57 : i32 to vector<16xi32>
        %select_n3A_59 = arith.select %eq3A_56, %all_reduce_population_count3A_53, %broadcast_in_dim3A_58 : vector<16xi1>, vector<16xi32>
        %add3A_60 = arith.addi %add3A_49, %select_n3A_59 : vector<16xi32>
        %eq3A_61 = arith.constant 3 : i32
        %eq3A_62 = vector.broadcast %eq3A_61 : i32 to vector<16xi32>
        %eq3A_63 = arith.cmpi eq, %shift_right_logical3A_31, %eq3A_62 : vector<16xi32>
        %all_reduce_population_count3A_64 = tpu.all_reduce %eq3A_63 {dim = 0 : i64, kind = #tpu.reduction_kind<sum>} : vector<16xi1> -> vector<16xi32>
        %eq3A_65 = arith.constant 3 : i32
        %eq3A_66 = vector.broadcast %eq3A_65 : i32 to vector<16xi32>
        %eq3A_67 = arith.cmpi eq, %iota3A, %eq3A_66 : vector<16xi32>
        %jit3A_68 = arith.constant 0 : i32
        %broadcast_in_dim3A_69 = vector.broadcast %jit3A_68 : i32 to vector<16xi32>
        %select_n3A_70 = arith.select %eq3A_67, %all_reduce_population_count3A_64, %broadcast_in_dim3A_69 : vector<16xi1>, vector<16xi32>
        %add3A_71 = arith.addi %add3A_60, %select_n3A_70 : vector<16xi32>
        %eq3A_72 = arith.constant 4 : i32
        %eq3A_73 = vector.broadcast %eq3A_72 : i32 to vector<16xi32>
        %eq3A_74 = arith.cmpi eq, %shift_right_logical3A_31, %eq3A_73 : vector<16xi32>
        %all_reduce_population_count3A_75 = tpu.all_reduce %eq3A_74 {dim = 0 : i64, kind = #tpu.reduction_kind<sum>} : vector<16xi1> -> vector<16xi32>
        %eq3A_76 = arith.constant 4 : i32
        %eq3A_77 = vector.broadcast %eq3A_76 : i32 to vector<16xi32>
        %eq3A_78 = arith.cmpi eq, %iota3A, %eq3A_77 : vector<16xi32>
        %jit3A_79 = arith.constant 0 : i32
        %broadcast_in_dim3A_80 = vector.broadcast %jit3A_79 : i32 to vector<16xi32>
        %select_n3A_81 = arith.select %eq3A_78, %all_reduce_population_count3A_75, %broadcast_in_dim3A_80 : vector<16xi1>, vector<16xi32>
        %add3A_82 = arith.addi %add3A_71, %select_n3A_81 : vector<16xi32>
        %eq3A_83 = arith.constant 5 : i32
        %eq3A_84 = vector.broadcast %eq3A_83 : i32 to vector<16xi32>
        %eq3A_85 = arith.cmpi eq, %shift_right_logical3A_31, %eq3A_84 : vector<16xi32>
        %all_reduce_population_count3A_86 = tpu.all_reduce %eq3A_85 {dim = 0 : i64, kind = #tpu.reduction_kind<sum>} : vector<16xi1> -> vector<16xi32>
        %eq3A_87 = arith.constant 5 : i32
        %eq3A_88 = vector.broadcast %eq3A_87 : i32 to vector<16xi32>
        %eq3A_89 = arith.cmpi eq, %iota3A, %eq3A_88 : vector<16xi32>
        %jit3A_90 = arith.constant 0 : i32
        %broadcast_in_dim3A_91 = vector.broadcast %jit3A_90 : i32 to vector<16xi32>
        %select_n3A_92 = arith.select %eq3A_89, %all_reduce_population_count3A_86, %broadcast_in_dim3A_91 : vector<16xi1>, vector<16xi32>
        %add3A_93 = arith.addi %add3A_82, %select_n3A_92 : vector<16xi32>
        %eq3A_94 = arith.constant 6 : i32
        %eq3A_95 = vector.broadcast %eq3A_94 : i32 to vector<16xi32>
        %eq3A_96 = arith.cmpi eq, %shift_right_logical3A_31, %eq3A_95 : vector<16xi32>
        %all_reduce_population_count3A_97 = tpu.all_reduce %eq3A_96 {dim = 0 : i64, kind = #tpu.reduction_kind<sum>} : vector<16xi1> -> vector<16xi32>
        %eq3A_98 = arith.constant 6 : i32
        %eq3A_99 = vector.broadcast %eq3A_98 : i32 to vector<16xi32>
        %eq3A_100 = arith.cmpi eq, %iota3A, %eq3A_99 : vector<16xi32>
        %jit3A_101 = arith.constant 0 : i32
        %broadcast_in_dim3A_102 = vector.broadcast %jit3A_101 : i32 to vector<16xi32>
        %select_n3A_103 = arith.select %eq3A_100, %all_reduce_population_count3A_97, %broadcast_in_dim3A_102 : vector<16xi1>, vector<16xi32>
        %add3A_104 = arith.addi %add3A_93, %select_n3A_103 : vector<16xi32>
        %eq3A_105 = arith.constant 7 : i32
        %eq3A_106 = vector.broadcast %eq3A_105 : i32 to vector<16xi32>
        %eq3A_107 = arith.cmpi eq, %shift_right_logical3A_31, %eq3A_106 : vector<16xi32>
        %all_reduce_population_count3A_108 = tpu.all_reduce %eq3A_107 {dim = 0 : i64, kind = #tpu.reduction_kind<sum>} : vector<16xi1> -> vector<16xi32>
        %eq3A_109 = arith.constant 7 : i32
        %eq3A_110 = vector.broadcast %eq3A_109 : i32 to vector<16xi32>
        %eq3A_111 = arith.cmpi eq, %iota3A, %eq3A_110 : vector<16xi32>
        %jit3A_112 = arith.constant 0 : i32
        %broadcast_in_dim3A_113 = vector.broadcast %jit3A_112 : i32 to vector<16xi32>
        %select_n3A_114 = arith.select %eq3A_111, %all_reduce_population_count3A_108, %broadcast_in_dim3A_113 : vector<16xi1>, vector<16xi32>
        %add3A_115 = arith.addi %add3A_104, %select_n3A_114 : vector<16xi32>
        %eq3A_116 = arith.constant 8 : i32
        %eq3A_117 = vector.broadcast %eq3A_116 : i32 to vector<16xi32>
        %eq3A_118 = arith.cmpi eq, %shift_right_logical3A_31, %eq3A_117 : vector<16xi32>
        %all_reduce_population_count3A_119 = tpu.all_reduce %eq3A_118 {dim = 0 : i64, kind = #tpu.reduction_kind<sum>} : vector<16xi1> -> vector<16xi32>
        %eq3A_120 = arith.constant 8 : i32
        %eq3A_121 = vector.broadcast %eq3A_120 : i32 to vector<16xi32>
        %eq3A_122 = arith.cmpi eq, %iota3A, %eq3A_121 : vector<16xi32>
        %jit3A_123 = arith.constant 0 : i32
        %broadcast_in_dim3A_124 = vector.broadcast %jit3A_123 : i32 to vector<16xi32>
        %select_n3A_125 = arith.select %eq3A_122, %all_reduce_population_count3A_119, %broadcast_in_dim3A_124 : vector<16xi1>, vector<16xi32>
        %add3A_126 = arith.addi %add3A_115, %select_n3A_125 : vector<16xi32>
        %eq3A_127 = arith.constant 9 : i32
        %eq3A_128 = vector.broadcast %eq3A_127 : i32 to vector<16xi32>
        %eq3A_129 = arith.cmpi eq, %shift_right_logical3A_31, %eq3A_128 : vector<16xi32>
        %all_reduce_population_count3A_130 = tpu.all_reduce %eq3A_129 {dim = 0 : i64, kind = #tpu.reduction_kind<sum>} : vector<16xi1> -> vector<16xi32>
        %eq3A_131 = arith.constant 9 : i32
        %eq3A_132 = vector.broadcast %eq3A_131 : i32 to vector<16xi32>
        %eq3A_133 = arith.cmpi eq, %iota3A, %eq3A_132 : vector<16xi32>
        %jit3A_134 = arith.constant 0 : i32
        %broadcast_in_dim3A_135 = vector.broadcast %jit3A_134 : i32 to vector<16xi32>
        %select_n3A_136 = arith.select %eq3A_133, %all_reduce_population_count3A_130, %broadcast_in_dim3A_135 : vector<16xi1>, vector<16xi32>
        %add3A_137 = arith.addi %add3A_126, %select_n3A_136 : vector<16xi32>
        %eq3A_138 = arith.constant 10 : i32
        %eq3A_139 = vector.broadcast %eq3A_138 : i32 to vector<16xi32>
        %eq3A_140 = arith.cmpi eq, %shift_right_logical3A_31, %eq3A_139 : vector<16xi32>
        %all_reduce_population_count3A_141 = tpu.all_reduce %eq3A_140 {dim = 0 : i64, kind = #tpu.reduction_kind<sum>} : vector<16xi1> -> vector<16xi32>
        %eq3A_142 = arith.constant 10 : i32
        %eq3A_143 = vector.broadcast %eq3A_142 : i32 to vector<16xi32>
        %eq3A_144 = arith.cmpi eq, %iota3A, %eq3A_143 : vector<16xi32>
        %jit3A_145 = arith.constant 0 : i32
        %broadcast_in_dim3A_146 = vector.broadcast %jit3A_145 : i32 to vector<16xi32>
        %select_n3A_147 = arith.select %eq3A_144, %all_reduce_population_count3A_141, %broadcast_in_dim3A_146 : vector<16xi1>, vector<16xi32>
        %add3A_148 = arith.addi %add3A_137, %select_n3A_147 : vector<16xi32>
        %eq3A_149 = arith.constant 11 : i32
        %eq3A_150 = vector.broadcast %eq3A_149 : i32 to vector<16xi32>
        %eq3A_151 = arith.cmpi eq, %shift_right_logical3A_31, %eq3A_150 : vector<16xi32>
        %all_reduce_population_count3A_152 = tpu.all_reduce %eq3A_151 {dim = 0 : i64, kind = #tpu.reduction_kind<sum>} : vector<16xi1> -> vector<16xi32>
        %eq3A_153 = arith.constant 11 : i32
        %eq3A_154 = vector.broadcast %eq3A_153 : i32 to vector<16xi32>
        %eq3A_155 = arith.cmpi eq, %iota3A, %eq3A_154 : vector<16xi32>
        %jit3A_156 = arith.constant 0 : i32
        %broadcast_in_dim3A_157 = vector.broadcast %jit3A_156 : i32 to vector<16xi32>
        %select_n3A_158 = arith.select %eq3A_155, %all_reduce_population_count3A_152, %broadcast_in_dim3A_157 : vector<16xi1>, vector<16xi32>
        %add3A_159 = arith.addi %add3A_148, %select_n3A_158 : vector<16xi32>
        %eq3A_160 = arith.constant 12 : i32
        %eq3A_161 = vector.broadcast %eq3A_160 : i32 to vector<16xi32>
        %eq3A_162 = arith.cmpi eq, %shift_right_logical3A_31, %eq3A_161 : vector<16xi32>
        %all_reduce_population_count3A_163 = tpu.all_reduce %eq3A_162 {dim = 0 : i64, kind = #tpu.reduction_kind<sum>} : vector<16xi1> -> vector<16xi32>
        %eq3A_164 = arith.constant 12 : i32
        %eq3A_165 = vector.broadcast %eq3A_164 : i32 to vector<16xi32>
        %eq3A_166 = arith.cmpi eq, %iota3A, %eq3A_165 : vector<16xi32>
        %jit3A_167 = arith.constant 0 : i32
        %broadcast_in_dim3A_168 = vector.broadcast %jit3A_167 : i32 to vector<16xi32>
        %select_n3A_169 = arith.select %eq3A_166, %all_reduce_population_count3A_163, %broadcast_in_dim3A_168 : vector<16xi1>, vector<16xi32>
        %add3A_170 = arith.addi %add3A_159, %select_n3A_169 : vector<16xi32>
        %eq3A_171 = arith.constant 13 : i32
        %eq3A_172 = vector.broadcast %eq3A_171 : i32 to vector<16xi32>
        %eq3A_173 = arith.cmpi eq, %shift_right_logical3A_31, %eq3A_172 : vector<16xi32>
        %all_reduce_population_count3A_174 = tpu.all_reduce %eq3A_173 {dim = 0 : i64, kind = #tpu.reduction_kind<sum>} : vector<16xi1> -> vector<16xi32>
        %eq3A_175 = arith.constant 13 : i32
        %eq3A_176 = vector.broadcast %eq3A_175 : i32 to vector<16xi32>
        %eq3A_177 = arith.cmpi eq, %iota3A, %eq3A_176 : vector<16xi32>
        %jit3A_178 = arith.constant 0 : i32
        %broadcast_in_dim3A_179 = vector.broadcast %jit3A_178 : i32 to vector<16xi32>
        %select_n3A_180 = arith.select %eq3A_177, %all_reduce_population_count3A_174, %broadcast_in_dim3A_179 : vector<16xi1>, vector<16xi32>
        %add3A_181 = arith.addi %add3A_170, %select_n3A_180 : vector<16xi32>
        scf.yield %add3A_181 : vector<16xi32>
      }
      %scan3A_23 = arith.constant 625 : i32
      scf.yield %scan3A_22 : vector<16xi32>
    }
    %scan3A_8 = arith.constant 5 : i32
    %swap3A = arith.constant 0 : index
    %swap3A_9 = tpu.vector_load %arg5[%swap3A] {strides = array<i32>} : memref<16xi32, #tpu.memory_space<vmem>>, vector<16xi32>,
    tpu.vector_store %arg5[%swap3A], %scan3A_7 {strides = array<i32>} : memref<16xi32, #tpu.memory_space<vmem>>, vector<16xi32>,
    %mul3A_10 = arith.constant 16 : i32
    %mul3A_11 = arith.muli %add3A, %mul3A_10 : i32
    %multiple_of3A = tpu.assume_multiple %mul3A_11, 16 : i32
    "tpu.region"() ({
      %run_scoped3A = tpu.sem_alloc : memref<!tpu.dma_semaphore, #tpu.memory_space<semaphore_mem>>
      %dma_start3A = tpu.memref_slice %arg3[%multiple_of3A] : memref<512xi32, #tpu.memory_space<hbm>> -> memref<16xi32, #tpu.memory_space<hbm>>
      %dma_start3A_12 = tpu.memref_slice %arg3[%multiple_of3A] : memref<512xi32, #tpu.memory_space<hbm>> -> memref<16xi32, #tpu.memory_space<hbm>>
      tpu.enqueue_dma source(%arg5 : memref<16xi32, #tpu.memory_space<vmem>>) target(%dma_start3A_12 : memref<16xi32, #tpu.memory_space<hbm>>) target_semaphore(%run_scoped3A : memref<!tpu.dma_semaphore, #tpu.memory_space<semaphore_mem>>)
      %dma_wait3A = tpu.memref_slice %arg3[%multiple_of3A] : memref<512xi32, #tpu.memory_space<hbm>> -> memref<16xi32, #tpu.memory_space<hbm>>
      %dma_wait3A_13 = tpu.memref_slice %arg3[%multiple_of3A] : memref<512xi32, #tpu.memory_space<hbm>> -> memref<16xi32, #tpu.memory_space<hbm>>
      tpu.wait_dma2 semaphore(%run_scoped3A : memref<!tpu.dma_semaphore, #tpu.memory_space<semaphore_mem>>) src(%arg5 : memref<16xi32, #tpu.memory_space<vmem>>) dst(%dma_wait3A_13 : memref<16xi32, #tpu.memory_space<hbm>>)
      tpu.yield
    }) : () -> ()
    return
  }
}

</mosaic_0001>

<sc_bundles>
// kernel: _sc_hist.3.cloned.1.call-start
scs
__scs_entry_jumppad:
0x0: {  	(pc) =	sbr.rel $0x88, $3  }
0x1: {  	(tag) =	ssettag $0x0;
	lr =	simm.s32 $0x1  }
0x2: {  	[smem:$0x3FA0] =	sst lr;
	_ =	strace $0xD0000000  }
0x3: {  	_ = 	snop  }
0x4: {  	_ = 	snop  }
0x5: {  	_ = 	snop  }
0x6: {  	_ = 	snop  }
0x7: {  	_ = 	snop  }
__scs_overlays_trampoline_lowered:
0x8: {  	[smem:$0x3FAF] =	sst s0  }
0x9: {  	[smem:$0x3FB0] =	sst s1  }
0xa: {  	[smem:$0x3FB1] =	sst s2  }
0xb: {  	[smem:$0x3FB2] =	sst s3  }
0xc: {  	[smem:$0x3FB3] =	sst s4  }
0xd: {  	[smem:$0x3FB4] =	sst s5  }
0xe: {  	[smem:$0x3FB5] =	sst s6  }
0xf: {  	[smem:$0x3FB6] =	sst s7  }
0x10: {  	[smem:$0x3FB7] =	sst s8  }
0x11: {  	[smem:$0x3FB8] =	sst s9;
	s0 =	simm.s32 @!p0 $0x0  }
0x12: {  	s1 =	sld [smem:$0x3F9E];
	s0 =	simm.s32 @p0 $0x1  }
0x13: {  	[smem:$0x3FB9] =	sst s0;
	s0 =	simm.s32 @!p1 $0x0  }
0x14: {  	s2 =	sld [smem:$0x3F9D];
	s0 =	simm.s32 @p1 $0x1  }
0x15: {  	[smem:$0x3FBA] =	sst s0;
	s0 =	simm.s32 @!p2 $0x0  }
0x16: {  	s3 =	sld [smem:$0x3FDB];
	s0 =	simm.s32 @p2 $0x1  }
0x17: {  	s4 =	simm.s32 $0x1BF5;
	[smem:$0x3FBC] =	sst s0  }
0x18: {  	s0 =	sld [smem:$0x3F9F];
	_ =	swait.ge [sflag:s4], $0x0  }
0x19: {  	s7 =	sld [smem:$0x3FA0]  }
0x1a: {  	s8 =	sadd.s32 $0xFFFFE003, lr  }
0x1b: {  	s9 =	sadd.s32 $0xFFFFFEF7, lr;
	s5 =	simm.s32 $0xFFFFFFFF;
	p2 =	slt.u32 s8, $0xFFFFF086  }
0x1c: {  	p1 =	slt.u32 s9, $0xF7A;
	s5 =	simm.s32 @!p2 $0x0  }
0x1d: {  	s5 =	simm.s32 @p1 $0x1;
	p0 =	seq.s32 s7, s2  }
0x1e: {  	s7 =	smul.u32 @!p0 $0xF7A, s2;
	p2 =	seq.s32 @!p0 s5, $0x0  }
0x1f: {  	s9 =	smul.u32 $0xF7A, s1;
	s8 =	simm.s32 @!p0 $0x1BF5;
	p2 =	por !p2, p0  }
0x20: {  	[sflag:s8] =	ssyncset.s32 @!p0 $0xFFFFF086;
	s6 =	sadd.s32 @!p0 s3, s7;
	s7 =	simm.s32 @!p0 $0x108  }
0x21: {  	s3 =	sadd.s32 s3, s9;
	s6 =	sadd.s32 @!p0 $0x88, s6;
	s7 =	simm.s32 @p2 $0x1082  }
0x22: {  	[simem:s7], [sflag:s8] =	dma.local @!p0 [hbm:s6], $0xF7A  }
0x23: {  	s9 =	sor.u32 $0xD0000000, s2;
	s6 =	simm.s32 $0x108;
	_ =	swait.ge @!p0 [sflag:s8], $0x0  }
0x24: {  	s3 =	sadd.s32 $0x88, s3;
	s6 =	simm.s32 @!p1 $0x1082;
	[sflag:s4] =	ssyncset.s32 $0xFFFFF086  }
0x25: {  	[simem:s6], [sflag:s4] =	dma.local [hbm:s3], $0xF7A  }
0x26: {  	[smem:$0x3FA0] =	sst s1;
	(tag) =	ssettag s2;
	_ =	strace s9  }
0x27: {  	s1 =	sld [smem:$0x3FB0]  }
0x28: {  	s2 =	sld [smem:$0x3FB1]  }
0x29: {  	s4 =	sld [smem:$0x3FB3]  }
0x2a: {  	p0 =	seq.s32 s5, $0x0;
	s5 =	sld [smem:$0x3FB4]  }
0x2b: {  	s6 =	sld [smem:$0x3FB5]  }
0x2c: {  	s7 =	sld [smem:$0x3FB6]  }
0x2d: {  	s3 =	simm.s32 $0x108;
	s8 =	sld [smem:$0x3FB7]  }
0x2e: {  	s3 =	simm.s32 @!p0 $0x1082;
	s9 =	sld [smem:$0x3FB8]  }
0x2f: {  	lr =	sadd.s32 s0, s3;
	s0 =	sld [smem:$0x3FAF]  }
0x30: {  	s3 =	sld [smem:$0x3FB2]  }
0x31: {  	[smem:$0x3FBB] =	sst s10  }
0x32: {  	s10 =	sld [smem:$0x3FB9];
	_ =	sdelay $0x3  }
0x33: {  	p0 =	seq.s32 s10, $0x1;
	s10 =	sld [smem:$0x3FBB];
	_ =	sdelay $0x3  }
0x34: {  	[smem:$0x3FBB] =	sst s10  }
0x35: {  	s10 =	sld [smem:$0x3FBA];
	_ =	sdelay $0x3  }
0x36: {  	p1 =	seq.s32 s10, $0x1;
	s10 =	sld [smem:$0x3FBB];
	_ =	sdelay $0x3  }
0x37: {  	[smem:$0x3FBB] =	sst s10  }
0x38: {  	s10 =	sld [smem:$0x3FBC]  }
0x39: {  	_ = 	snop;
	(pc) =	sbr.ind lr, $3  }
0x3a: {  	_ = 	snop  }
0x3b: {  	_ = 	snop  }
0x3c: {  	p2 =	seq.s32 s10, $0x1;
	s10 =	sld [smem:$0x3FBB]  }
0x3d: {  	_ =	shalt  }
0x3e: {  	_ =	shalt  }
0x3f: {  	_ =	shalt  }
0x40: {  	_ =	shalt  }
0x41: {  	_ =	shalt  }
0x42: {  	_ =	shalt  }
0x43: {  	_ =	shalt  }
0x44: {  	_ =	shalt  }
0x45: {  	_ =	shalt  }
0x46: {  	_ =	shalt  }
0x47: {  	_ =	shalt  }
0x48: {  	_ =	shalt  }
0x49: {  	_ =	shalt  }
0x4a: {  	_ =	shalt  }
0x4b: {  	_ =	shalt  }
0x4c: {  	_ =	shalt  }
0x4d: {  	_ =	shalt  }
0x4e: {  	_ =	shalt  }
0x4f: {  	_ =	shalt  }
0x50: {  	_ =	shalt  }
0x51: {  	_ =	shalt  }
0x52: {  	_ =	shalt  }
0x53: {  	_ =	shalt  }
0x54: {  	_ =	shalt  }
0x55: {  	_ =	shalt  }
0x56: {  	_ =	shalt  }
0x57: {  	_ =	shalt  }
0x58: {  	_ =	shalt  }
0x59: {  	_ =	shalt  }
0x5a: {  	_ =	shalt  }
0x5b: {  	_ =	shalt  }
0x5c: {  	_ =	shalt  }
0x5d: {  	_ =	shalt  }
0x5e: {  	_ =	shalt  }
0x5f: {  	_ =	shalt  }
0x60: {  	_ =	shalt  }
0x61: {  	_ =	shalt  }
0x62: {  	_ =	shalt  }
0x63: {  	_ =	shalt  }
0x64: {  	_ =	shalt  }
0x65: {  	_ =	shalt  }
0x66: {  	_ =	shalt  }
0x67: {  	_ =	shalt  }
0x68: {  	_ =	shalt  }
0x69: {  	_ =	shalt  }
0x6a: {  	_ =	shalt  }
0x6b: {  	_ =	shalt  }
0x6c: {  	_ =	shalt  }
0x6d: {  	_ =	shalt  }
0x6e: {  	_ =	shalt  }
0x6f: {  	_ =	shalt  }
0x70: {  	_ =	shalt  }
0x71: {  	_ =	shalt  }
0x72: {  	_ =	shalt  }
0x73: {  	_ =	shalt  }
0x74: {  	_ =	shalt  }
0x75: {  	_ =	shalt  }
0x76: {  	_ =	shalt  }
0x77: {  	_ =	shalt  }
0x78: {  	_ =	shalt  }
0x79: {  	_ =	shalt  }
0x7a: {  	_ =	shalt  }
0x7b: {  	_ =	shalt  }
0x7c: {  	_ =	shalt  }
0x7d: {  	_ =	shalt  }
0x7e: {  	_ =	shalt  }
0x7f: {  	_ =	shalt  }
0x80: {  	_ =	shalt  }
0x81: {  	_ =	shalt  }
0x82: {  	_ =	shalt  }
0x83: {  	_ =	shalt  }
0x84: {  	_ =	shalt  }
0x85: {  	_ =	shalt  }
0x86: {  	_ =	shalt  }
0x87: {  	_ =	shalt  }
.Lfunc_end0:
.L_simem_size_0:
called_computation_lowered:
.L_overlay_start_0:
0x88: {  	s2 =	sld [smem:$0x3FD9]  }
0x89: {  	s3 =	sld [smem:$0x3FFE];
	_ =	sdelay $0x1  }
0x8a: {  	s1 =	srdreg.scid  }
0x8b: {  	s0 =	sand.u32 $0x1, s1  }
0x8c: {  	s18 =	sshll.u32 s0, $0xA;
	s2 =	sadd.s32 s3, s2  }
0x8d: {  	s2 =	sadd.s32 s2, s18  }
0x8e: {  	[smem:$0x3FC7] =	sst s2  }
0x8f: {  	_ = 	snop  }
0x90: {  	s2 =	sld [smem:$0x3FC9]  }
0x91: {  	s19 =	sld [smem:$0x3FD0];
	(tm) =	ssettm $0x1  }
0x92: {  	s4 =	sld [smem:$0x3FFB];
	_ =	sdelay $0x3  }
0x93: {  	_ =	strace s4  }
0x94: {  	s4 =	sld [smem:$0x3FFC];
	_ =	sdelay $0x3  }
0x95: {  	_ =	strace s4  }
0x96: {  	s4 =	sld [smem:$0x3FFD];
	_ =	sdelay $0x3  }
0x97: {  	_ =	strace s4  }
0x98: {  	_ =	strace $0x8FFFFFFF  }
0x99: {  	s20 =	sld [smem:$0x3FDB];
	_ =	sdelay $0x1  }
0x9a: {  	s5 =	simm.s32 $_scs_section_size  }
0x9b: {  	s6 =	simm.s32 $_size__tile_overlayer_lowered;
	s7 =	simm.s32 $_tile_overlayer_lowered  }
0x9c: {  	s23 =	simm.s32 $0x1BFF;
	s22 =	sshll.u32 s7, $0x1;
	s4 =	sadd.s32 s5, s20  }
0x9d: {  	s8 =	simm.s32 $0x0;
	s21 =	sshll.u32 s6, $0x1;
	s6 =	sadd.s32 s22, s4  }
0x9e: {  	[timem:s8], [sflag:s23] =	dma.local [hbm:s6], s21  }
0x9f: {  	_ =	swait.ge [sflag:s23], s21  }
0xa0: {  	s5 =	ssub.s32 $0x0, s21;
	[sflag:s23] =	ssyncset.done $0x0  }
0xa1: {  	[sflag:s23] =	ssyncadd.s32 s5;
	_ =	sdelay $0x1  }
0xa2: {  	s24 =	simm.s32 $0x1B8B  }
0xa3: {  	_ =	swait.ge [sflag:s24], $0x1  }
0xa4: {  	[sflag:s24] =	ssyncset.done $0x0  }
0xa5: {  	s25 =	simm.s32 $0x1B8E;
	[sflag:s24] =	ssyncadd.s32 $0xFFFFFFFF  }
0xa6: {  	s26 =	simm.s32 $execute0_lowered;
	[smem:$0x3FD2] =	sst s25  }
0xa7: {  	s5 =	sshll.u32 s26, $0x1;
	_ =	strace $0x80000046;
	[dreg:$0x1] =	wrdreg $0xFFFFFFFF  }
0xa8: {  	s28 =	simm.s32 $_size_execute0_lowered;
	s4 =	sadd.s32 s4, s5;
	[dreg:$0x0] =	wrdreg $0x0  }
0xa9: {  	s5 =	sshll.u32 s28, $0x1;
	[dreg:$0x2] =	wrdreg s4  }
0xaa: {  	[dreg:$0x3] =	wrdreg s5  }
0xab: {  	[dreg:$0x4] =	wrdreg $0xC0  }
0xac: {  	_ =	task [dreg:s8], $0x5FFFF  }
0xad: {  	[dreg:$0x1] =	wrdreg $0xFFFFFFFF  }
0xae: {  	[dreg:$0x0] =	wrdreg $0x60  }
0xaf: {  	[dreg:$0x2] =	wrdreg s2  }
0xb0: {  	[dreg:$0x3] =	wrdreg s19  }
0xb1: {  	[dreg:$0x4] =	wrdreg $0x9  }
0xb2: {  	_ =	task.clear_ibuf [dreg:s8], $0x5FFFF;
	_ =	strace $0x90000046  }
0xb3: {  	s29 =	simm.s32 $0x9;
	_ =	strace $0x80000048  }
0xb4: {  	_ =	swait.ge [sflag:s29], $0x1  }
0xb5: {  	[sflag:s29] =	ssyncadd.s32 $0xFFFFFFFF  }
0xb6: {  	_ =	strace $0x90000048  }
0xb7: {  	_ =	sfence  }
0xb8: {  	s30 =	sld [smem:$0x0];
	_ =	sdelay $0x2  }
0xb9: {  	s31 =	sshll.u32 s1, $0xD;
	s1 =	sshrl.u32 s1, $0x2  }
0xba: {  	s3 =	sand.u32 $0x4000, s31;
	s1 =	sadd.s32 s1, s30  }
0xbb: {  	s0 =	sor.u32 s3, s0;
	s1 =	sshll.u32 s1, $0x11  }
0xbc: {  	s0 =	sor.u32 s1, s0  }
0xbd: {  	s0 =	sadd.s32 $0x8F2B, s0  }
0xbe: {  	[sflag:s0] =	ssyncadd.remote.s32 $0x1  }
0xbf: {  	_ =	sfence.sel $0xFFFF  }
0xc0: {  	[dreg:$0x0] =	wrdreg $0xFFFFFFFF;
	(pc) =	sbr.abs _section_cstart, $3  }
0xc1: {  	[dreg:$0x1] =	wrdreg $0xFFFFFFFF  }
0xc2: {  	_ =	task.clear_ibuf [dreg:s8], $0x2FFFF;
	_ =	strace $0x9FFFFFFF  }
0xc3: {  	(tm) =	ssettm $0x7FFFFFFF  }
tec
execute0_lowered:
.L_overlay_start_1:
0x0: {  	(tag) =	ssettag $0x1  }
0x1: {  	s1 =	rddreg [dreg:$0x0]  }
0x2: {  	s5 =	rddreg [dreg:$0x1];
	s2 =	srdreg.scid  }
0x3: {  	s0 =	rddreg [dreg:$0x2];
	s3 =	simm.s32 $0x0;
	vm0 =	vmmov $0x1;
	s8 =	simm.s32 $0x2710  }
0x4: {  	vm2 =	vcmask $0x308;
	vm5 =	vcmask $0x70C;
	vm9 =	vcmask $0xB10;
	s9 =	simm.s32 $0x0;
	s4 =	sand.u32 $0x1, s2;
	s2 =	stileid.u32  }
0x5: {  	vm8 =	vcmask $0xF14;
	vm6 =	vcmask $0x1318;
	vm7 =	vcmask $0x171C;
	[smem:$0x7FF] =	sst s3;
	s6 =	ssub.s32 $0x2, s4;
	s4 =	sshll.u32 s4, $0x4  }
0x6: {  	vm4 =	vcmask $0x1B20;
	vm13 =	vcmask $0x1F24;
	v0 =	vimm.s32 $0x0;
	_ =	strace $0x80000047;
	s7 =	sshrl.u32 s6, $0x1;
	s4 =	sor.u32 s2, s4  }
0x7: {  	vm10 =	vcmask $0x2328;
	vm11 =	vcmask $0x272C;
	v0 =	vsel vm0, $0xFFFFFFFF, v0;
	s6 =	ssub.s32 s6, s7;
	s31 =	sshll.u32 s4, $0x1;
	s4 =	smul.u32 $0xC350, s4  }
0x8: {  	vm12 =	vcmask $0x2B30;
	vm3 =	vcmask $0x2F34;
	vm15 =	vcmask $0x3338;
	[tilespmem:$0x1FFF0] =	vst v0;
	s7 =	simm.s32 $0x1;
	s5 =	sadd.s32 s5, s31;
	s6 =	smax.u32 s6, $0x1  }
.LBB2_1:
0x9: {  	v0 =	vimm.s32 $0x0;
	s10 =	simm.s32 $0x0  }
.LBB2_2:
0xa: {  	s11 =	smul.u32 $0x2710, s10;
	_ =	sdelay $0x1  }
0xb: {  	s11 =	sadd.s32 s4, s11  }
0xc: {  	s11 =	sshrl.u32 s11, $0x3  }
0xd: {  	s12 =	simm.s32 $0x0;
	s11 =	sadd.s32 s1, s11  }
0xe: {  	[tilespmem:s12], [sflag:$0x1] =	stream.linear.gather [hbm4b:s11+s12], $0x2710, $0x38;
	[tilespmem:$0x2720] =	vst v63  }
0xf: {  	_ =	swait.ge [sflag:s7], $0x2710  }
0x10: {  	[sflag:s7] =	ssyncset.done $0x0  }
0x11: {  	s30 =	simm.s32 $0x0;
	[sflag:s7] =	ssyncadd.s32 $0xFFFFD8F0  }
0x12: {  	v1 =	vld [tilespmem:s30+$0x0];
	_ =	sdelay $0x4  }
0x13: {  	v3 =	vshrl.u32 v1, $0xD  }
0x14: {  	v2 =	vimm.s32 $0x0;
	vm1 =	veq.s32 v3, $0x0;
	vm14 =	veq.s32 v3, $0xD  }
0x15: {  	v1 =	vmpcnt.ones.xlane vm1;
	vm1 =	veq.s32 v3, $0x1;
	v2 =	vsel vm14, $0xFFFFFFFF, v2  }
0x16: {  	[tilespmem:$0x1FFE0] =	vst v2;
	v2 =	vmpcnt.ones.xlane vm1;
	vm1 =	veq.s32 v3, $0x2  }
0x17: {  	vm14 =	veq.s32 v3, $0xC;
	v4 =	vmpcnt.ones.xlane vm1;
	vm1 =	veq.s32 v3, $0x3  }
0x18: {  	v1 =	vnsel vm0, $0x0, v1;
	v5 =	vmpcnt.ones.xlane vm1;
	vm1 =	veq.s32 v3, $0x4  }
0x19: {  	v0 =	vadd.s32 v0, v1;
	v2 =	vsel vm2, $0x0, v2;
	v1 =	vmpcnt.ones.xlane vm1  }
0x1a: {  	vm1 =	veq.s32 v3, $0x5;
	v0 =	vadd.s32 v2, v0;
	v2 =	vsel vm5, $0x0, v4  }
0x1b: {  	v4 =	vmpcnt.ones.xlane vm1;
	vm1 =	veq.s32 v3, $0x6;
	v0 =	vadd.s32 v2, v0  }
0x1c: {  	v2 =	vsel vm9, $0x0, v5;
	v5 =	vmpcnt.ones.xlane vm1;
	vm1 =	veq.s32 v3, $0x7  }
0x1d: {  	v0 =	vadd.s32 v2, v0;
	v1 =	vsel vm8, $0x0, v1;
	v2 =	vmpcnt.ones.xlane vm1  }
0x1e: {  	vm1 =	veq.s32 v3, $0x8;
	v0 =	vadd.s32 v1, v0;
	v1 =	vsel vm6, $0x0, v4  }
0x1f: {  	v4 =	vmpcnt.ones.xlane vm1;
	vm1 =	veq.s32 v3, $0x9;
	v0 =	vadd.s32 v1, v0  }
0x20: {  	v1 =	vsel vm7, $0x0, v5;
	v5 =	vmpcnt.ones.xlane vm1;
	vm1 =	veq.s32 v3, $0xA  }
0x21: {  	v0 =	vadd.s32 v1, v0;
	v2 =	vsel vm4, $0x0, v2;
	v1 =	vmpcnt.ones.xlane vm1  }
0x22: {  	s31 =	simm.s32 $0x10;
	vm1 =	veq.s32 v3, $0xB;
	v0 =	vadd.s32 v2, v0;
	v4 =	vsel vm13, $0x0, v4  }
0x23: {  	s11 =	simm.s32 $0x80;
	v2 =	vmpcnt.ones.xlane vm1;
	v3 =	vadd.s32 v4, v0;
	v0 =	vld [tilespmem:s31+$0x0];
	v4 =	vsel vm10, $0x0, v5  }
.LBB2_3:
0x24: {  	v3 =	vadd.s32 v4, v3;
	v1 =	vsel vm11, $0x0, v1  }
0x25: {  	v1 =	vadd.s32 v1, v3;
	v3 =	vld [tilespmem:$0x1FFE0];
	_ =	sdelay $0x2  }
0x26: {  	v4 =	vmpcnt.ones.xlane vm14;
	vm1 =	vmmov vm6;
	v2 =	vsel vm12, $0x0, v2  }
0x27: {  	vm2 =	vmmov vm7;
	vm13 =	vmmov vm8;
	v1 =	vadd.s32 v2, v1  }
0x28: {  	v2 =	vsel vm3, $0x0, v4;
	v0 =	vshrl.u32 v0, $0xD;
	vm0 =	vnez.u8 v3  }
0x29: {  	v4 =	vimm.s32 $0x0;
	v3 =	vmpcnt.ones.xlane vm0;
	vm0 =	veq.s32 v0, $0xD  }
0x2a: {  	vm3 =	vmmov vm15;
	v1 =	vadd.s32 v2, v1;
	v4 =	vsel vm0, $0xFFFFFFFF, v4  }
0x2b: {  	vm0 =	veq.s32 v0, $0xB;
	v2 =	vsel vm15, $0x0, v3;
	v3 =	vimm.s32 $0x0  }
0x2c: {  	vm14 =	veq.s32 v0, $0xC;
	vm4 =	veq.s32 v0, $0x8;
	v3 =	vsel vm0, $0xFFFFFFFF, v3  }
0x2d: {  	v1 =	vadd.s32 v2, v1;
	vm0 =	veq.s32 v0, $0x9;
	v2 =	vimm.s32 $0x0  }
0x2e: {  	vm6 =	veq.s32 v0, $0x6;
	vm7 =	veq.s32 v0, $0x7;
	[tilespmem:$0x1FFE0] =	vst v4;
	v4 =	vld [tilespmem:$0x1FFF0];
	v2 =	vsel vm0, $0xFFFFFFFF, v2  }
0x2f: {  	vm8 =	veq.s32 v0, $0x5;
	vm0 =	veq.s32 v0, $0xA;
	[tilespmem:$0x1FFB0] =	vst v2;
	v2 =	vimm.s32 $0x0  }
0x30: {  	vm15 =	vmmov vm12;
	vm12 =	vmmov vm9;
	v2 =	vsel vm0, $0xFFFFFFFF, v2  }
0x31: {  	vm0 =	vmmov vm11;
	vm11 =	vmmov vm5;
	vm5 =	veq.s32 v0, $0x0  }
0x32: {  	vm9 =	veq.s32 v0, $0x4;
	[tilespmem:$0x1FFC0] =	vst v2;
	v2 =	vmpcnt.ones.xlane vm5;
	vm5 =	veq.s32 v0, $0x1  }
0x33: {  	[tilespmem:$0x1FFD0] =	vst v3;
	vm10 =	vnez.u8 v4;
	v3 =	vmpcnt.ones.xlane vm5;
	vm5 =	veq.s32 v0, $0x2  }
0x34: {  	v2 =	vnsel vm10, $0x0, v2;
	v4 =	vmpcnt.ones.xlane vm5;
	vm10 =	vcmask $0x308  }
0x35: {  	vm5 =	veq.s32 v0, $0x3;
	v0 =	vadd.s32 v1, v2;
	v1 =	vsel vm10, $0x0, v3  }
0x36: {  	v2 =	vmpcnt.ones.xlane vm5;
	vm5 =	vmmov vm11;
	v3 =	vmpcnt.ones.xlane vm9  }
0x37: {  	vm9 =	vmmov vm12;
	v0 =	vadd.s32 v1, v0;
	v1 =	vsel vm5, $0x0, v4  }
0x38: {  	v0 =	vadd.s32 v1, v0;
	v1 =	vsel vm9, $0x0, v2;
	v2 =	vmpcnt.ones.xlane vm8  }
0x39: {  	v0 =	vadd.s32 v1, v0;
	v1 =	vsel vm13, $0x0, v3;
	v3 =	vmpcnt.ones.xlane vm6  }
0x3a: {  	v0 =	vadd.s32 v1, v0;
	v1 =	vsel vm1, $0x0, v2  }
0x3b: {  	v1 =	vadd.s32 v1, v0;
	v3 =	vsel vm2, $0x0, v3  }
0x3c: {  	v1 =	vadd.s32 v3, v1;
	v3 =	vld [tilespmem:$0x1FFB0];
	_ =	sdelay $0x1  }
0x3d: {  	v2 =	vmpcnt.ones.xlane vm7  }
0x3e: {  	vm11 =	vmmov vm0;
	v4 =	vmpcnt.ones.xlane vm4;
	vm4 =	vcmask $0x1B20  }
0x3f: {  	vm8 =	vmmov vm13;
	vm13 =	vcmask $0x1F24;
	v2 =	vsel vm4, $0x0, v2  }
0x40: {  	v2 =	vadd.s32 v2, v1;
	v1 =	vld [tilespmem:$0x1FFC0];
	vm0 =	vnez.u8 v3;
	v3 =	vsel vm13, $0x0, v4  }
0x41: {  	v3 =	vadd.s32 v3, v2;
	v2 =	vld [tilespmem:$0x1FFD0]  }
0x42: {  	p0 =	sne.s32 s11, $0x9C00  }
.Ltmp0:
0x43: {  	_ = 	snop;
	(pc) =	sbr.rel @p0 .LBB2_3-.Ltmp0, $4  }
0x44: {  	vm12 =	vmmov vm15;
	vm15 =	vmmov vm3;
	vm3 =	vcmask $0x2F34  }
0x45: {  	vm10 =	vcmask $0x2328;
	v5 =	vmpcnt.ones.xlane vm0;
	vm0 =	vnez.u8 v1  }
0x46: {  	s12 =	sshra.s32 s11, $0x2;
	vm6 =	vmmov vm1;
	v1 =	vmpcnt.ones.xlane vm0;
	vm0 =	vnez.u8 v2  }
0x47: {  	s11 =	sadd.s32 $0x40, s11;
	vm7 =	vmmov vm2;
	v0 =	vld [tilespmem:s12+$0x0];
	v4 =	vsel vm10, $0x0, v5;
	v2 =	vmpcnt.ones.xlane vm0  }
0x48: {  	v3 =	vadd.s32 v4, v3;
	v1 =	vsel vm11, $0x0, v1  }
0x49: {  	v1 =	vadd.s32 v1, v3;
	v3 =	vld [tilespmem:$0x1FFE0];
	_ =	sdelay $0x4  }
0x4a: {  	v5 =	vmpcnt.ones.xlane vm14;
	vm0 =	vnez.u8 v3  }
0x4b: {  	v2 =	vsel vm12, $0x0, v2;
	v3 =	vmpcnt.ones.xlane vm0  }
0x4c: {  	v1 =	vadd.s32 v2, v1;
	v2 =	vsel vm3, $0x0, v5  }
0x4d: {  	v1 =	vadd.s32 v2, v1;
	v3 =	vsel vm15, $0x0, v3  }
0x4e: {  	v0 =	vshrl.u32 v0, $0xD;
	v1 =	vadd.s32 v3, v1;
	v3 =	vld [tilespmem:$0x1FFF0]  }
0x4f: {  	vm1 =	veq.s32 v0, $0x0  }
0x50: {  	v56 =	vmpcnt.ones.xlane vm1;
	vm1 =	veq.s32 v0, $0x1  }
0x51: {  	v2 =	vmpcnt.ones.xlane vm1;
	vm1 =	veq.s32 v0, $0x2  }
0x52: {  	vm2 =	vcmask $0x308;
	v57 =	vmpcnt.ones.xlane vm1;
	vm1 =	veq.s32 v0, $0x3  }
0x53: {  	v58 =	vmpcnt.ones.xlane vm1;
	vm1 =	veq.s32 v0, $0x4;
	vm14 =	vnez.u8 v3  }
0x54: {  	v2 =	vsel vm2, $0x0, v2;
	v5 =	vsel vm5, $0x0, v57;
	v3 =	vnsel vm14, $0x0, v56  }
0x55: {  	v1 =	vadd.s32 v1, v3;
	v3 =	vmpcnt.ones.xlane vm1;
	vm1 =	veq.s32 v0, $0x5  }
0x56: {  	v1 =	vadd.s32 v2, v1;
	v2 =	vmpcnt.ones.xlane vm1;
	vm1 =	veq.s32 v0, $0x6  }
0x57: {  	v4 =	vsel vm9, $0x0, v58;
	v1 =	vadd.s32 v5, v1;
	v59 =	vmpcnt.ones.xlane vm1  }
0x58: {  	vm1 =	veq.s32 v0, $0x7;
	v3 =	vsel vm8, $0x0, v3;
	v1 =	vadd.s32 v4, v1  }
0x59: {  	v60 =	vmpcnt.ones.xlane vm1;
	vm1 =	veq.s32 v0, $0x8;
	v2 =	vsel vm6, $0x0, v2  }
0x5a: {  	v1 =	vadd.s32 v3, v1;
	v3 =	vmpcnt.ones.xlane vm1;
	vm1 =	veq.s32 v0, $0x9  }
0x5b: {  	v1 =	vadd.s32 v2, v1;
	v2 =	vsel vm7, $0x0, v59;
	v61 =	vmpcnt.ones.xlane vm1  }
0x5c: {  	vm1 =	veq.s32 v0, $0xA;
	v1 =	vadd.s32 v2, v1;
	v2 =	vsel vm4, $0x0, v60  }
0x5d: {  	v62 =	vmpcnt.ones.xlane vm1;
	vm1 =	veq.s32 v0, $0xB;
	v3 =	vsel vm13, $0x0, v3  }
0x5e: {  	s10 =	sadd.s32 $0x1, s10;
	v1 =	vadd.s32 v2, v1;
	v2 =	vmpcnt.ones.xlane vm1;
	vm1 =	veq.s32 v0, $0xC  }
0x5f: {  	p0 =	sne.s32 s10, $0x5;
	v1 =	vadd.s32 v3, v1;
	v3 =	vsel vm10, $0x0, v61;
	v63 =	vmpcnt.ones.xlane vm1  }
.Ltmp1:
0x60: {  	vm1 =	veq.s32 v0, $0xD;
	v0 =	vadd.s32 v3, v1;
	v1 =	vsel vm11, $0x0, v62;
	(pc) =	sbr.rel @p0 .LBB2_2-.Ltmp1, $4  }
0x61: {  	v3 =	vmpcnt.ones.xlane vm1;
	v0 =	vadd.s32 v1, v0;
	v1 =	vsel vm12, $0x0, v2  }
0x62: {  	v0 =	vadd.s32 v1, v0;
	v1 =	vsel vm3, $0x0, v63  }
0x63: {  	v0 =	vadd.s32 v1, v0;
	v1 =	vsel vm15, $0x0, v3  }
0x64: {  	vm0 =	vmmov vm14;
	v0 =	vadd.s32 v1, v0  }
0x65: {  	s9 =	sadd.s32 $0x1, s9  }
0x66: {  	p0 =	sne.s32 s9, s6  }
.Ltmp2:
0x67: {  	[tilespmem:$0x2710] =	vst v0;
	(pc) =	sbr.rel @p0 .LBB2_1-.Ltmp2, $4  }
0x68: {  	[hbm4b:s5+s3] =	stream.linear.scatter [tilespmem:s8], [sflag:$0x1], $0x10, $0x38;
	[tilespmem:$0x2720] =	vst v63  }
0x69: {  	_ =	swait.ge [sflag:s7], $0x10  }
0x6a: {  	[sflag:s7] =	ssyncset.done $0x0  }
0x6b: {  	[sflag:s7] =	ssyncadd.s32 $0xFFFFFFF0  }
0x6c: {  	_ =	sfence.sel $0x180000  }
0x6d: {  	[bflag:$0x0] =	sbarrier.arrive $0xFFFF  }
0x6e: {  	p0 =	sne.s32 s2, $0x0;
	_ =	strace $0x90000047  }
0x6f: {  	s0 =	sadd.s32 @!p0 $0x100000, s0;
	[bflag:$0x2] =	sbarrier.arrive $0xFFFF  }
0x70: {  	[sflag:s0] =	ssyncadd.tile.s32 @!p0 $0x1;
	_ =	shalt  }
.Lfunc_end2:
_tile_overlayer_lowered:
.L_overlay_start_2:
0x71: {  	(tag) =	ssettag $0x2  }
0x72: {  	s0 =	rddreg [dreg:$0x0];
	s2 =	stileid.u32  }
0x73: {  	s1 =	rddreg [dreg:$0x1];
	p0 =	sne.s32 s2, $0x0  }
0x74: {  	s3 =	rddreg [dreg:$0x2];
	[bflag:$0x3] =	sbarrier.arrive $0xFFFF;
	s2 =	simm.s32 @!p0 $0x1C01  }
0x75: {  	[timem:s3], [sflag:s2] =	dma.local @!p0 [hbm:s0], s1  }
0x76: {  	s0 =	simm.s32 @!p0 $0x1  }
0x77: {  	_ =	swait.ge @!p0 [sflag:s0], s1  }
0x78: {  	s1 =	ssub.s32 @!p0 $0x0, s1;
	[sflag:s0] =	ssyncset.done @!p0 $0x0  }
0x79: {  	[sflag:s0] =	ssyncadd.s32 @!p0 s1  }
0x7a: {  	[bflag:$0x3] =	sbarrier.arrive $0xFFFF  }
0x7b: {  	_ =	shalt  }

</sc_bundles>
